<compile_context>
chip_gen: v7x
topology: tpu7x:2x2x1
jax: 0.10.2.dev20260603
libtpu: 0.0.44.dev20260713+nightly
codegen_flags: <defaults>
</compile_context>

<pallas_src>
import functools

import jax
import jax.numpy as jnp
from jax import lax
from jax.experimental import pallas as pl
from jax.experimental.pallas import tpu as pltpu
from jax.experimental.pallas import tpu_sc as plsc

_NC = 2
_NS = 16
_NW = _NC * _NS

_MAXLEN = 2048
_EMBED = 1024

_ROWS_PER_W = _MAXLEN // _NW
_TILE_ROWS = 32
_TILE_ELEMS = _TILE_ROWS * _EMBED
_P_TILES = _ROWS_PER_W // _TILE_ROWS

_SEQ_BLK = 512


def _tc_add_kernel(x_ref, pos_ref, o_ref):
    o_ref[...] = x_ref[...] + pos_ref[...][None, :, :]


def _sc_add_kernel(x_hbm, pos_hbm, out_hbm, pos_v, x_v, sem):
    wid = lax.axis_index("c") * _NS + lax.axis_index("s")
    base = wid * _ROWS_PER_W * _EMBED
    for p in range(_P_TILES):
        off = base + p * _TILE_ELEMS
        pltpu.sync_copy(pos_hbm.at[pl.ds(off, _TILE_ELEMS)], pos_v)
        pltpu.sync_copy(x_hbm.at[pl.ds(off, _TILE_ELEMS)], x_v)

        def _body(i, _):
            sl = pl.ds(i * 16, 16)
            x_v[sl] = x_v[sl] + pos_v[sl]
            return 0

        lax.fori_loop(0, _TILE_ELEMS // 16, _body, 0)
        pltpu.sync_copy(x_v, out_hbm.at[pl.ds(off, _TILE_ELEMS)])


def kernel(x, pos_table):
    batch, maxlen, embed = x.shape
    x_tc = x[: batch - 1]
    x_sc = x[batch - 1].reshape(maxlen * embed)
    pf = pos_table.reshape(maxlen * embed)

    mesh = plsc.VectorSubcoreMesh(core_axis_name="c", subcore_axis_name="s")
    sc_k = functools.partial(
        pl.kernel,
        mesh=mesh,
        out_type=jax.ShapeDtypeStruct(x_sc.shape, x_sc.dtype),
        scratch_types=[
            pltpu.VMEM((_TILE_ELEMS,), jnp.float32),
            pltpu.VMEM((_TILE_ELEMS,), jnp.float32),
            pltpu.SemaphoreType.DMA,
        ],
    )(_sc_add_kernel)
    out_sc = sc_k(x_sc, pf)

    out_tc = pl.pallas_call(
        _tc_add_kernel,
        grid=(maxlen // _SEQ_BLK,),
        in_specs=[
            pl.BlockSpec((batch - 1, _SEQ_BLK, embed), lambda i: (0, i, 0)),
            pl.BlockSpec((_SEQ_BLK, embed), lambda i: (i, 0)),
        ],
        out_specs=pl.BlockSpec((batch - 1, _SEQ_BLK, embed), lambda i: (0, i, 0)),
        out_shape=jax.ShapeDtypeStruct(x_tc.shape, x_tc.dtype),
        compiler_params=pltpu.CompilerParams(
            dimension_semantics=("parallel",),
        ),
    )(x_tc, pos_table)

    return jnp.concatenate(
        [out_tc, out_sc.reshape(1, maxlen, embed)], axis=0
    )

# --- scband reference (transcript-rebuilt; emitter-appended) ---
"""Pipeline reference for scband-positional-embedding-46729244181040 (READ-ONLY COPY).

The authoritative reference and input builder live on the scoring server;
editing this copy changes nothing except your own understanding.
"""

import jax, jax.numpy as jnp
import numpy as np

MAXLEN = 2048
EMBED_DIM = 1024
BATCH = 4

def setup_inputs(seed: int = 0) -> dict:
    key = jax.random.key(seed)
    k1, k2 = jax.random.split(key)
    x = jax.random.normal(k1, (BATCH, MAXLEN, EMBED_DIM), dtype=jnp.float32)
    pos_table = jax.random.normal(k2, (MAXLEN, EMBED_DIM), dtype=jnp.float32) * 0.02
    return {"x": x, "pos_table": pos_table}

def reference(x, pos_table):
    # positions = tf.range(0, maxlen); pos_emb lookup; broadcast-add to x
    positions = jnp.arange(MAXLEN)
    pos = jnp.take(pos_table, positions, axis=0)  # [maxlen, embed_dim]
    return x + pos

if __name__ == "__main__":
    import jax
    _d = setup_inputs()
    print(jax.jit(kernel)(*tuple(_d.values())))

</pallas_src>

<mosaic_0001>
#map = affine_map<(d0, d1) -> (0)>
module attributes {stable_mosaic.version = 14 : i64} {
  func.func @_sc_add_kernel(%arg0: i32, %arg1: i32, %arg2: memref<2097152xf32, #tpu.memory_space<hbm>>, %arg3: memref<2097152xf32, #tpu.memory_space<hbm>>, %arg4: memref<2097152xf32, #tpu.memory_space<hbm>>, %arg5: memref<32768xf32, #tpu.memory_space<vmem>>, %arg6: memref<32768xf32, #tpu.memory_space<vmem>>, %arg7: memref<!tpu.dma_semaphore, #tpu.memory_space<semaphore_mem>>) attributes {dimension_semantics = [#tpu.dimension_semantics<core_parallel>, #tpu.dimension_semantics<subcore_parallel>], iteration_bounds = array<i64: 2, 16>, scalar_prefetch = 0 : i64, scratch_operands = 3 : i64, tpu.core_type = #tpu.core_type<sc_vector_subcore>, window_params = [{transform_indices = #map}, {transform_indices = #map}, {transform_indices = #map}]} {
    %mul3A = arith.constant 16 : i32
    %mul3A_0 = arith.muli %arg0, %mul3A : i32
    %add3A = arith.addi %mul3A_0, %arg1 : i32
    %mul3A_1 = arith.constant 64 : i32
    %mul3A_2 = arith.muli %add3A, %mul3A_1 : i32
    %mul3A_3 = arith.constant 1024 : i32
    %mul3A_4 = arith.muli %mul3A_2, %mul3A_3 : i32
    %add3A_5 = arith.constant 0 : i32
    %add3A_6 = arith.addi %mul3A_4, %add3A_5 : i32
    "tpu.region"() ({
      %run_scoped3A = tpu.sem_alloc : memref<!tpu.dma_semaphore, #tpu.memory_space<semaphore_mem>>
      %dma_start3A = tpu.memref_slice %arg3[%add3A_6] : memref<2097152xf32, #tpu.memory_space<hbm>> -> memref<32768xf32, #tpu.memory_space<hbm>>
      %dma_start3A_22 = tpu.memref_slice %arg3[%add3A_6] : memref<2097152xf32, #tpu.memory_space<hbm>> -> memref<32768xf32, #tpu.memory_space<hbm>>
      tpu.enqueue_dma source(%dma_start3A_22 : memref<32768xf32, #tpu.memory_space<hbm>>) target(%arg5 : memref<32768xf32, #tpu.memory_space<vmem>>) target_semaphore(%run_scoped3A : memref<!tpu.dma_semaphore, #tpu.memory_space<semaphore_mem>>)
      %dma_wait3A = tpu.memref_slice %arg3[%add3A_6] : memref<2097152xf32, #tpu.memory_space<hbm>> -> memref<32768xf32, #tpu.memory_space<hbm>>
      %dma_wait3A_23 = tpu.memref_slice %arg3[%add3A_6] : memref<2097152xf32, #tpu.memory_space<hbm>> -> memref<32768xf32, #tpu.memory_space<hbm>>
      tpu.wait_dma2 semaphore(%run_scoped3A : memref<!tpu.dma_semaphore, #tpu.memory_space<semaphore_mem>>) src(%dma_wait3A_23 : memref<32768xf32, #tpu.memory_space<hbm>>) dst(%arg5 : memref<32768xf32, #tpu.memory_space<vmem>>)
      tpu.yield
    }) : () -> ()
    "tpu.region"() ({
      %run_scoped3A = tpu.sem_alloc : memref<!tpu.dma_semaphore, #tpu.memory_space<semaphore_mem>>
      %dma_start3A = tpu.memref_slice %arg2[%add3A_6] : memref<2097152xf32, #tpu.memory_space<hbm>> -> memref<32768xf32, #tpu.memory_space<hbm>>
      %dma_start3A_22 = tpu.memref_slice %arg2[%add3A_6] : memref<2097152xf32, #tpu.memory_space<hbm>> -> memref<32768xf32, #tpu.memory_space<hbm>>
      tpu.enqueue_dma source(%dma_start3A_22 : memref<32768xf32, #tpu.memory_space<hbm>>) target(%arg6 : memref<32768xf32, #tpu.memory_space<vmem>>) target_semaphore(%run_scoped3A : memref<!tpu.dma_semaphore, #tpu.memory_space<semaphore_mem>>)
      %dma_wait3A = tpu.memref_slice %arg2[%add3A_6] : memref<2097152xf32, #tpu.memory_space<hbm>> -> memref<32768xf32, #tpu.memory_space<hbm>>
      %dma_wait3A_23 = tpu.memref_slice %arg2[%add3A_6] : memref<2097152xf32, #tpu.memory_space<hbm>> -> memref<32768xf32, #tpu.memory_space<hbm>>
      tpu.wait_dma2 semaphore(%run_scoped3A : memref<!tpu.dma_semaphore, #tpu.memory_space<semaphore_mem>>) src(%dma_wait3A_23 : memref<32768xf32, #tpu.memory_space<hbm>>) dst(%arg6 : memref<32768xf32, #tpu.memory_space<vmem>>)
      tpu.yield
    }) : () -> ()
    %scan3A = arith.constant 0 : i32
    %scan3A_7 = arith.constant 0 : i32
    %scan3A_8 = arith.constant 2048 : i32
    %scan3A_9 = arith.addi %scan3A_7, %scan3A_8 : i32
    %scan3A_10 = arith.constant 1 : i32
    %scan3A_11 = scf.for %scan3A_22 = %scan3A_7 to %scan3A_9 step %scan3A_10 iter_args(%scan3A_23 = %scan3A) -> (i32)  : i32 {
      %mul3A_24 = arith.constant 16 : i32
      %mul3A_25 = arith.muli %scan3A_22, %mul3A_24 : i32
      %get3A = arith.index_cast %mul3A_25 : i32 to index
      %get3A_26 = tpu.vector_load %arg6[%get3A] {strides = array<i32>} : memref<32768xf32, #tpu.memory_space<vmem>>, vector<16xf32>,
      %get3A_27 = vector.shape_cast %get3A_26 : vector<16xf32> to vector<16xf32>
      %get3A_28 = arith.index_cast %mul3A_25 : i32 to index
      %get3A_29 = tpu.vector_load %arg5[%get3A_28] {strides = array<i32>} : memref<32768xf32, #tpu.memory_space<vmem>>, vector<16xf32>,
      %get3A_30 = vector.shape_cast %get3A_29 : vector<16xf32> to vector<16xf32>
      %add3A_31 = arith.addf %get3A_27, %get3A_30 : vector<16xf32>
      %swap3A = arith.index_cast %mul3A_25 : i32 to index
      %swap3A_32 = tpu.vector_load %arg6[%swap3A] {strides = array<i32>} : memref<32768xf32, #tpu.memory_space<vmem>>, vector<16xf32>,
      %swap3A_33 = vector.shape_cast %swap3A_32 : vector<16xf32> to vector<16xf32>
      %swap3A_34 = vector.shape_cast %add3A_31 : vector<16xf32> to vector<16xf32>
      tpu.vector_store %arg6[%swap3A], %swap3A_34 {strides = array<i32>} : memref<32768xf32, #tpu.memory_space<vmem>>, vector<16xf32>,
      %scan3A_35 = arith.constant 0 : i32
      scf.yield %scan3A_35 : i32
    }
    %scan3A_12 = arith.constant 2048 : i32
    "tpu.region"() ({
      %run_scoped3A = tpu.sem_alloc : memref<!tpu.dma_semaphore, #tpu.memory_space<semaphore_mem>>
      %dma_start3A = tpu.memref_slice %arg4[%add3A_6] : memref<2097152xf32, #tpu.memory_space<hbm>> -> memref<32768xf32, #tpu.memory_space<hbm>>
      %dma_start3A_22 = tpu.memref_slice %arg4[%add3A_6] : memref<2097152xf32, #tpu.memory_space<hbm>> -> memref<32768xf32, #tpu.memory_space<hbm>>
      tpu.enqueue_dma source(%arg6 : memref<32768xf32, #tpu.memory_space<vmem>>) target(%dma_start3A_22 : memref<32768xf32, #tpu.memory_space<hbm>>) target_semaphore(%run_scoped3A : memref<!tpu.dma_semaphore, #tpu.memory_space<semaphore_mem>>)
      %dma_wait3A = tpu.memref_slice %arg4[%add3A_6] : memref<2097152xf32, #tpu.memory_space<hbm>> -> memref<32768xf32, #tpu.memory_space<hbm>>
      %dma_wait3A_23 = tpu.memref_slice %arg4[%add3A_6] : memref<2097152xf32, #tpu.memory_space<hbm>> -> memref<32768xf32, #tpu.memory_space<hbm>>
      tpu.wait_dma2 semaphore(%run_scoped3A : memref<!tpu.dma_semaphore, #tpu.memory_space<semaphore_mem>>) src(%arg6 : memref<32768xf32, #tpu.memory_space<vmem>>) dst(%dma_wait3A_23 : memref<32768xf32, #tpu.memory_space<hbm>>)
      tpu.yield
    }) : () -> ()
    %add3A_13 = arith.constant 32768 : i32
    %add3A_14 = arith.addi %mul3A_4, %add3A_13 : i32
    "tpu.region"() ({
      %run_scoped3A = tpu.sem_alloc : memref<!tpu.dma_semaphore, #tpu.memory_space<semaphore_mem>>
      %dma_start3A = tpu.memref_slice %arg3[%add3A_14] : memref<2097152xf32, #tpu.memory_space<hbm>> -> memref<32768xf32, #tpu.memory_space<hbm>>
      %dma_start3A_22 = tpu.memref_slice %arg3[%add3A_14] : memref<2097152xf32, #tpu.memory_space<hbm>> -> memref<32768xf32, #tpu.memory_space<hbm>>
      tpu.enqueue_dma source(%dma_start3A_22 : memref<32768xf32, #tpu.memory_space<hbm>>) target(%arg5 : memref<32768xf32, #tpu.memory_space<vmem>>) target_semaphore(%run_scoped3A : memref<!tpu.dma_semaphore, #tpu.memory_space<semaphore_mem>>)
      %dma_wait3A = tpu.memref_slice %arg3[%add3A_14] : memref<2097152xf32, #tpu.memory_space<hbm>> -> memref<32768xf32, #tpu.memory_space<hbm>>
      %dma_wait3A_23 = tpu.memref_slice %arg3[%add3A_14] : memref<2097152xf32, #tpu.memory_space<hbm>> -> memref<32768xf32, #tpu.memory_space<hbm>>
      tpu.wait_dma2 semaphore(%run_scoped3A : memref<!tpu.dma_semaphore, #tpu.memory_space<semaphore_mem>>) src(%dma_wait3A_23 : memref<32768xf32, #tpu.memory_space<hbm>>) dst(%arg5 : memref<32768xf32, #tpu.memory_space<vmem>>)
      tpu.yield
    }) : () -> ()
    "tpu.region"() ({
      %run_scoped3A = tpu.sem_alloc : memref<!tpu.dma_semaphore, #tpu.memory_space<semaphore_mem>>
      %dma_start3A = tpu.memref_slice %arg2[%add3A_14] : memref<2097152xf32, #tpu.memory_space<hbm>> -> memref<32768xf32, #tpu.memory_space<hbm>>
      %dma_start3A_22 = tpu.memref_slice %arg2[%add3A_14] : memref<2097152xf32, #tpu.memory_space<hbm>> -> memref<32768xf32, #tpu.memory_space<hbm>>
      tpu.enqueue_dma source(%dma_start3A_22 : memref<32768xf32, #tpu.memory_space<hbm>>) target(%arg6 : memref<32768xf32, #tpu.memory_space<vmem>>) target_semaphore(%run_scoped3A : memref<!tpu.dma_semaphore, #tpu.memory_space<semaphore_mem>>)
      %dma_wait3A = tpu.memref_slice %arg2[%add3A_14] : memref<2097152xf32, #tpu.memory_space<hbm>> -> memref<32768xf32, #tpu.memory_space<hbm>>
      %dma_wait3A_23 = tpu.memref_slice %arg2[%add3A_14] : memref<2097152xf32, #tpu.memory_space<hbm>> -> memref<32768xf32, #tpu.memory_space<hbm>>
      tpu.wait_dma2 semaphore(%run_scoped3A : memref<!tpu.dma_semaphore, #tpu.memory_space<semaphore_mem>>) src(%dma_wait3A_23 : memref<32768xf32, #tpu.memory_space<hbm>>) dst(%arg6 : memref<32768xf32, #tpu.memory_space<vmem>>)
      tpu.yield
    }) : () -> ()
    %scan3A_15 = arith.constant 0 : i32
    %scan3A_16 = arith.constant 0 : i32
    %scan3A_17 = arith.constant 2048 : i32
    %scan3A_18 = arith.addi %scan3A_16, %scan3A_17 : i32
    %scan3A_19 = arith.constant 1 : i32
    %scan3A_20 = scf.for %scan3A_22 = %scan3A_16 to %scan3A_18 step %scan3A_19 iter_args(%scan3A_23 = %scan3A_15) -> (i32)  : i32 {
      %mul3A_24 = arith.constant 16 : i32
      %mul3A_25 = arith.muli %scan3A_22, %mul3A_24 : i32
      %get3A = arith.index_cast %mul3A_25 : i32 to index
      %get3A_26 = tpu.vector_load %arg6[%get3A] {strides = array<i32>} : memref<32768xf32, #tpu.memory_space<vmem>>, vector<16xf32>,
      %get3A_27 = vector.shape_cast %get3A_26 : vector<16xf32> to vector<16xf32>
      %get3A_28 = arith.index_cast %mul3A_25 : i32 to index
      %get3A_29 = tpu.vector_load %arg5[%get3A_28] {strides = array<i32>} : memref<32768xf32, #tpu.memory_space<vmem>>, vector<16xf32>,
      %get3A_30 = vector.shape_cast %get3A_29 : vector<16xf32> to vector<16xf32>
      %add3A_31 = arith.addf %get3A_27, %get3A_30 : vector<16xf32>
      %swap3A = arith.index_cast %mul3A_25 : i32 to index
      %swap3A_32 = tpu.vector_load %arg6[%swap3A] {strides = array<i32>} : memref<32768xf32, #tpu.memory_space<vmem>>, vector<16xf32>,
      %swap3A_33 = vector.shape_cast %swap3A_32 : vector<16xf32> to vector<16xf32>
      %swap3A_34 = vector.shape_cast %add3A_31 : vector<16xf32> to vector<16xf32>
      tpu.vector_store %arg6[%swap3A], %swap3A_34 {strides = array<i32>} : memref<32768xf32, #tpu.memory_space<vmem>>, vector<16xf32>,
      %scan3A_35 = arith.constant 0 : i32
      scf.yield %scan3A_35 : i32
    }
    %scan3A_21 = arith.constant 2048 : i32
    "tpu.region"() ({
      %run_scoped3A = tpu.sem_alloc : memref<!tpu.dma_semaphore, #tpu.memory_space<semaphore_mem>>
      %dma_start3A = tpu.memref_slice %arg4[%add3A_14] : memref<2097152xf32, #tpu.memory_space<hbm>> -> memref<32768xf32, #tpu.memory_space<hbm>>
      %dma_start3A_22 = tpu.memref_slice %arg4[%add3A_14] : memref<2097152xf32, #tpu.memory_space<hbm>> -> memref<32768xf32, #tpu.memory_space<hbm>>
      tpu.enqueue_dma source(%arg6 : memref<32768xf32, #tpu.memory_space<vmem>>) target(%dma_start3A_22 : memref<32768xf32, #tpu.memory_space<hbm>>) target_semaphore(%run_scoped3A : memref<!tpu.dma_semaphore, #tpu.memory_space<semaphore_mem>>)
      %dma_wait3A = tpu.memref_slice %arg4[%add3A_14] : memref<2097152xf32, #tpu.memory_space<hbm>> -> memref<32768xf32, #tpu.memory_space<hbm>>
      %dma_wait3A_23 = tpu.memref_slice %arg4[%add3A_14] : memref<2097152xf32, #tpu.memory_space<hbm>> -> memref<32768xf32, #tpu.memory_space<hbm>>
      tpu.wait_dma2 semaphore(%run_scoped3A : memref<!tpu.dma_semaphore, #tpu.memory_space<semaphore_mem>>) src(%arg6 : memref<32768xf32, #tpu.memory_space<vmem>>) dst(%dma_wait3A_23 : memref<32768xf32, #tpu.memory_space<hbm>>)
      tpu.yield
    }) : () -> ()
    return
  }
}

module attributes {stable_mosaic.version = 14 : i64} {
  func.func @_tc_add_kernel(%arg0: i32, %arg1: memref<3x512x1024xf32, #tpu.memory_space<vmem>>, %arg2: memref<512x1024xf32, #tpu.memory_space<vmem>>, %arg3: memref<3x512x1024xf32, #tpu.memory_space<vmem>>) attributes {dimension_semantics = [#tpu.dimension_semantics<parallel>], iteration_bounds = array<i64: 4>, scalar_prefetch = 0 : i64, scratch_operands = 0 : i64, tpu.core_type = #tpu.core_type<tc>, window_params = [{transform_indices = @transform_0, window_bounds = array<i64: 3, 512, 1024>}, {transform_indices = @transform_1, window_bounds = array<i64: 512, 1024>}, {transform_indices = @transform_2, window_bounds = array<i64: 3, 512, 1024>}]} {
    %get3A = arith.constant 0 : index
    %get3A_0 = arith.constant 0 : index
    %get3A_1 = arith.constant 0 : index
    %get3A_2 = vector.load %arg1[%get3A, %get3A_0, %get3A_1] : memref<3x512x1024xf32, #tpu.memory_space<vmem>>, vector<3x512x1024xf32>
    %get3A_3 = arith.constant 0 : index
    %get3A_4 = arith.constant 0 : index
    %get3A_5 = vector.load %arg2[%get3A_3, %get3A_4] : memref<512x1024xf32, #tpu.memory_space<vmem>>, vector<512x1024xf32>
    %broadcast_in_dim3A = vector.shape_cast %get3A_5 : vector<512x1024xf32> to vector<1x512x1024xf32>
    %add3A = vector.broadcast %broadcast_in_dim3A : vector<1x512x1024xf32> to vector<3x512x1024xf32>
    %add3A_6 = arith.addf %get3A_2, %add3A : vector<3x512x1024xf32>
    %swap3A = arith.constant 0 : index
    %swap3A_7 = arith.constant 0 : index
    %swap3A_8 = arith.constant 0 : index
    %swap3A_9 = vector.load %arg3[%swap3A, %swap3A_7, %swap3A_8] : memref<3x512x1024xf32, #tpu.memory_space<vmem>>, vector<3x512x1024xf32>
    tpu.vector_store %arg3[%swap3A, %swap3A_7, %swap3A_8], %add3A_6 {strides = array<i32>} : memref<3x512x1024xf32, #tpu.memory_space<vmem>>, vector<3x512x1024xf32>,
    return
  }
  func.func @transform_0(%arg0: i32) -> (i32, i32, i32) {
    %c0_i32 = arith.constant 0 : i32
    %c0_i32_0 = arith.constant 0 : i32
    %c0_i32_1 = arith.constant 0 : i32
    return %c0_i32, %arg0, %c0_i32_0 : i32, i32, i32
  }
  func.func @transform_1(%arg0: i32) -> (i32, i32) {
    %c0_i32 = arith.constant 0 : i32
    %c0_i32_0 = arith.constant 0 : i32
    return %arg0, %c0_i32 : i32, i32
  }
  func.func @transform_2(%arg0: i32) -> (i32, i32, i32) {
    %c0_i32 = arith.constant 0 : i32
    %c0_i32_0 = arith.constant 0 : i32
    %c0_i32_1 = arith.constant 0 : i32
    return %c0_i32, %arg0, %c0_i32_0 : i32, i32, i32
  }
}

</mosaic_0001>

<sc_bundles>
// kernel: kernel.4.cloned.1.call-start
scs
__scs_entry_jumppad:
0x0: {  	(pc) =	sbr.rel $0x88, $3  }
0x1: {  	(tag) =	ssettag $0x0;
	lr =	simm.s32 $0x1  }
0x2: {  	[smem:$0x3F9F] =	sst lr;
	_ =	strace $0xD0000000  }
0x3: {  	_ = 	snop  }
0x4: {  	_ = 	snop  }
0x5: {  	_ = 	snop  }
0x6: {  	_ = 	snop  }
0x7: {  	_ = 	snop  }
__scs_overlays_trampoline_lowered:
0x8: {  	[smem:$0x3FAE] =	sst s0  }
0x9: {  	[smem:$0x3FAF] =	sst s1  }
0xa: {  	[smem:$0x3FB0] =	sst s2  }
0xb: {  	[smem:$0x3FB1] =	sst s3  }
0xc: {  	[smem:$0x3FB2] =	sst s4  }
0xd: {  	[smem:$0x3FB3] =	sst s5  }
0xe: {  	[smem:$0x3FB4] =	sst s6  }
0xf: {  	[smem:$0x3FB5] =	sst s7  }
0x10: {  	[smem:$0x3FB6] =	sst s8  }
0x11: {  	[smem:$0x3FB7] =	sst s9;
	s0 =	simm.s32 @!p0 $0x0  }
0x12: {  	s1 =	sld [smem:$0x3F9D];
	s0 =	simm.s32 @p0 $0x1  }
0x13: {  	[smem:$0x3FB8] =	sst s0;
	s0 =	simm.s32 @!p1 $0x0  }
0x14: {  	s2 =	sld [smem:$0x3F9C];
	s0 =	simm.s32 @p1 $0x1  }
0x15: {  	[smem:$0x3FB9] =	sst s0;
	s0 =	simm.s32 @!p2 $0x0  }
0x16: {  	s3 =	sld [smem:$0x3FDB];
	s0 =	simm.s32 @p2 $0x1  }
0x17: {  	s4 =	simm.s32 $0x1BF5;
	[smem:$0x3FBB] =	sst s0  }
0x18: {  	s0 =	sld [smem:$0x3F9E];
	_ =	swait.ge [sflag:s4], $0x0  }
0x19: {  	s7 =	sld [smem:$0x3F9F]  }
0x1a: {  	s8 =	sadd.s32 $0xFFFFE003, lr  }
0x1b: {  	s9 =	sadd.s32 $0xFFFFFEF7, lr;
	s5 =	simm.s32 $0xFFFFFFFF;
	p2 =	slt.u32 s8, $0xFFFFF086  }
0x1c: {  	p1 =	slt.u32 s9, $0xF7A;
	s5 =	simm.s32 @!p2 $0x0  }
0x1d: {  	s5 =	simm.s32 @p1 $0x1;
	p0 =	seq.s32 s7, s2  }
0x1e: {  	s7 =	smul.u32 @!p0 $0xF7A, s2;
	p2 =	seq.s32 @!p0 s5, $0x0  }
0x1f: {  	s9 =	smul.u32 $0xF7A, s1;
	s8 =	simm.s32 @!p0 $0x1BF5;
	p2 =	por !p2, p0  }
0x20: {  	[sflag:s8] =	ssyncset.s32 @!p0 $0xFFFFF086;
	s6 =	sadd.s32 @!p0 s3, s7;
	s7 =	simm.s32 @!p0 $0x108  }
0x21: {  	s3 =	sadd.s32 s3, s9;
	s6 =	sadd.s32 @!p0 $0x88, s6;
	s7 =	simm.s32 @p2 $0x1082  }
0x22: {  	[simem:s7], [sflag:s8] =	dma.local @!p0 [hbm:s6], $0xF7A  }
0x23: {  	s9 =	sor.u32 $0xD0000000, s2;
	s6 =	simm.s32 $0x108;
	_ =	swait.ge @!p0 [sflag:s8], $0x0  }
0x24: {  	s3 =	sadd.s32 $0x88, s3;
	s6 =	simm.s32 @!p1 $0x1082;
	[sflag:s4] =	ssyncset.s32 $0xFFFFF086  }
0x25: {  	[simem:s6], [sflag:s4] =	dma.local [hbm:s3], $0xF7A  }
0x26: {  	[smem:$0x3F9F] =	sst s1;
	(tag) =	ssettag s2;
	_ =	strace s9  }
0x27: {  	s1 =	sld [smem:$0x3FAF]  }
0x28: {  	s2 =	sld [smem:$0x3FB0]  }
0x29: {  	s4 =	sld [smem:$0x3FB2]  }
0x2a: {  	p0 =	seq.s32 s5, $0x0;
	s5 =	sld [smem:$0x3FB3]  }
0x2b: {  	s6 =	sld [smem:$0x3FB4]  }
0x2c: {  	s7 =	sld [smem:$0x3FB5]  }
0x2d: {  	s3 =	simm.s32 $0x108;
	s8 =	sld [smem:$0x3FB6]  }
0x2e: {  	s3 =	simm.s32 @!p0 $0x1082;
	s9 =	sld [smem:$0x3FB7]  }
0x2f: {  	lr =	sadd.s32 s0, s3;
	s0 =	sld [smem:$0x3FAE]  }
0x30: {  	s3 =	sld [smem:$0x3FB1]  }
0x31: {  	[smem:$0x3FBA] =	sst s10  }
0x32: {  	s10 =	sld [smem:$0x3FB8];
	_ =	sdelay $0x3  }
0x33: {  	p0 =	seq.s32 s10, $0x1;
	s10 =	sld [smem:$0x3FBA];
	_ =	sdelay $0x3  }
0x34: {  	[smem:$0x3FBA] =	sst s10  }
0x35: {  	s10 =	sld [smem:$0x3FB9];
	_ =	sdelay $0x3  }
0x36: {  	p1 =	seq.s32 s10, $0x1;
	s10 =	sld [smem:$0x3FBA];
	_ =	sdelay $0x3  }
0x37: {  	[smem:$0x3FBA] =	sst s10  }
0x38: {  	s10 =	sld [smem:$0x3FBB]  }
0x39: {  	_ = 	snop;
	(pc) =	sbr.ind lr, $3  }
0x3a: {  	_ = 	snop  }
0x3b: {  	_ = 	snop  }
0x3c: {  	p2 =	seq.s32 s10, $0x1;
	s10 =	sld [smem:$0x3FBA]  }
0x3d: {  	_ =	shalt  }
0x3e: {  	_ =	shalt  }
0x3f: {  	_ =	shalt  }
0x40: {  	_ =	shalt  }
0x41: {  	_ =	shalt  }
0x42: {  	_ =	shalt  }
0x43: {  	_ =	shalt  }
0x44: {  	_ =	shalt  }
0x45: {  	_ =	shalt  }
0x46: {  	_ =	shalt  }
0x47: {  	_ =	shalt  }
0x48: {  	_ =	shalt  }
0x49: {  	_ =	shalt  }
0x4a: {  	_ =	shalt  }
0x4b: {  	_ =	shalt  }
0x4c: {  	_ =	shalt  }
0x4d: {  	_ =	shalt  }
0x4e: {  	_ =	shalt  }
0x4f: {  	_ =	shalt  }
0x50: {  	_ =	shalt  }
0x51: {  	_ =	shalt  }
0x52: {  	_ =	shalt  }
0x53: {  	_ =	shalt  }
0x54: {  	_ =	shalt  }
0x55: {  	_ =	shalt  }
0x56: {  	_ =	shalt  }
0x57: {  	_ =	shalt  }
0x58: {  	_ =	shalt  }
0x59: {  	_ =	shalt  }
0x5a: {  	_ =	shalt  }
0x5b: {  	_ =	shalt  }
0x5c: {  	_ =	shalt  }
0x5d: {  	_ =	shalt  }
0x5e: {  	_ =	shalt  }
0x5f: {  	_ =	shalt  }
0x60: {  	_ =	shalt  }
0x61: {  	_ =	shalt  }
0x62: {  	_ =	shalt  }
0x63: {  	_ =	shalt  }
0x64: {  	_ =	shalt  }
0x65: {  	_ =	shalt  }
0x66: {  	_ =	shalt  }
0x67: {  	_ =	shalt  }
0x68: {  	_ =	shalt  }
0x69: {  	_ =	shalt  }
0x6a: {  	_ =	shalt  }
0x6b: {  	_ =	shalt  }
0x6c: {  	_ =	shalt  }
0x6d: {  	_ =	shalt  }
0x6e: {  	_ =	shalt  }
0x6f: {  	_ =	shalt  }
0x70: {  	_ =	shalt  }
0x71: {  	_ =	shalt  }
0x72: {  	_ =	shalt  }
0x73: {  	_ =	shalt  }
0x74: {  	_ =	shalt  }
0x75: {  	_ =	shalt  }
0x76: {  	_ =	shalt  }
0x77: {  	_ =	shalt  }
0x78: {  	_ =	shalt  }
0x79: {  	_ =	shalt  }
0x7a: {  	_ =	shalt  }
0x7b: {  	_ =	shalt  }
0x7c: {  	_ =	shalt  }
0x7d: {  	_ =	shalt  }
0x7e: {  	_ =	shalt  }
0x7f: {  	_ =	shalt  }
0x80: {  	_ =	shalt  }
0x81: {  	_ =	shalt  }
0x82: {  	_ =	shalt  }
0x83: {  	_ =	shalt  }
0x84: {  	_ =	shalt  }
0x85: {  	_ =	shalt  }
0x86: {  	_ =	shalt  }
0x87: {  	_ =	shalt  }
.Lfunc_end0:
.L_simem_size_0:
called_computation_lowered:
.L_overlay_start_0:
0x88: {  	s2 =	sld [smem:$0x3FD9]  }
0x89: {  	s3 =	sld [smem:$0x3FFE];
	_ =	sdelay $0x1  }
0x8a: {  	s1 =	srdreg.scid  }
0x8b: {  	s0 =	sand.u32 $0x1, s1  }
0x8c: {  	s16 =	sshll.u32 s0, $0xA;
	s2 =	sadd.s32 s3, s2  }
0x8d: {  	s2 =	sadd.s32 s2, s16  }
0x8e: {  	[smem:$0x3FC6] =	sst s2  }
0x8f: {  	_ = 	snop  }
0x90: {  	(tm) =	ssettm $0x1  }
0x91: {  	s17 =	sld [smem:$0x3FFB];
	_ =	sdelay $0x3  }
0x92: {  	_ =	strace s17  }
0x93: {  	s2 =	sld [smem:$0x3FFC];
	_ =	sdelay $0x3  }
0x94: {  	_ =	strace s2  }
0x95: {  	s2 =	sld [smem:$0x3FFD];
	_ =	sdelay $0x3  }
0x96: {  	_ =	strace s2  }
0x97: {  	_ =	strace $0x8FFFFFFF  }
0x98: {  	s18 =	sld [smem:$0x3FDB];
	_ =	sdelay $0x1  }
0x99: {  	s19 =	simm.s32 $_scs_section_size  }
0x9a: {  	s4 =	simm.s32 $_size__tile_overlayer_lowered;
	s5 =	simm.s32 $_tile_overlayer_lowered  }
0x9b: {  	s22 =	simm.s32 $0x1BFF;
	s21 =	sshll.u32 s5, $0x1;
	s2 =	sadd.s32 s19, s18  }
0x9c: {  	s6 =	simm.s32 $0x0;
	s20 =	sshll.u32 s4, $0x1;
	s4 =	sadd.s32 s21, s2  }
0x9d: {  	[timem:s6], [sflag:s22] =	dma.local [hbm:s4], s20  }
0x9e: {  	_ =	swait.ge [sflag:s22], s20  }
0x9f: {  	s3 =	ssub.s32 $0x0, s20;
	[sflag:s22] =	ssyncset.done $0x0  }
0xa0: {  	[sflag:s22] =	ssyncadd.s32 s3;
	_ =	sdelay $0x1  }
0xa1: {  	s23 =	simm.s32 $0x1B8B  }
0xa2: {  	_ =	swait.ge [sflag:s23], $0x1  }
0xa3: {  	[sflag:s23] =	ssyncset.done $0x0  }
0xa4: {  	s25 =	simm.s32 $0x1B8E;
	s24 =	sld [smem:$0x3FFE];
	[sflag:s23] =	ssyncadd.s32 $0xFFFFFFFF  }
0xa5: {  	s26 =	simm.s32 $execute0_lowered;
	[smem:$0x3FD2] =	sst s25  }
0xa6: {  	s4 =	sshll.u32 s26, $0x1;
	_ =	strace $0x80000046;
	[dreg:$0x1] =	wrdreg $0xFFFFFFFF  }
0xa7: {  	s28 =	simm.s32 $_size_execute0_lowered;
	s2 =	sadd.s32 s2, s4;
	[dreg:$0x0] =	wrdreg $0x0  }
0xa8: {  	s4 =	sshll.u32 s28, $0x1;
	[dreg:$0x2] =	wrdreg s2  }
0xa9: {  	[dreg:$0x3] =	wrdreg s4  }
0xaa: {  	[dreg:$0x4] =	wrdreg $0xC0  }
0xab: {  	_ =	task [dreg:s6], $0x5FFFF  }
0xac: {  	[dreg:$0x1] =	wrdreg $0xFFFFFFFF  }
0xad: {  	[dreg:$0x0] =	wrdreg $0x60  }
0xae: {  	[dreg:$0x2] =	wrdreg s24  }
0xaf: {  	[dreg:$0x3] =	wrdreg $0x9  }
0xb0: {  	_ =	task.clear_ibuf [dreg:s6], $0x4FFFF;
	_ =	strace $0x90000046  }
0xb1: {  	s29 =	simm.s32 $0x9;
	_ =	strace $0x80000048  }
0xb2: {  	_ =	swait.ge [sflag:s29], $0x1  }
0xb3: {  	[sflag:s29] =	ssyncadd.s32 $0xFFFFFFFF  }
0xb4: {  	_ =	strace $0x90000048  }
0xb5: {  	_ =	sfence  }
0xb6: {  	s30 =	sld [smem:$0x0];
	_ =	sdelay $0x2  }
0xb7: {  	s31 =	sshll.u32 s1, $0xD;
	s1 =	sshrl.u32 s1, $0x2  }
0xb8: {  	s3 =	sand.u32 $0x4000, s31;
	s1 =	sadd.s32 s1, s30  }
0xb9: {  	s0 =	sor.u32 s3, s0;
	s1 =	sshll.u32 s1, $0x11  }
0xba: {  	s0 =	sor.u32 s1, s0  }
0xbb: {  	s0 =	sadd.s32 $0x8F2B, s0  }
0xbc: {  	[sflag:s0] =	ssyncadd.remote.s32 $0x1  }
0xbd: {  	_ =	sfence.sel $0xFFFF  }
0xbe: {  	[dreg:$0x0] =	wrdreg $0xFFFFFFFF;
	(pc) =	sbr.abs _section_cstart, $3  }
0xbf: {  	[dreg:$0x1] =	wrdreg $0xFFFFFFFF  }
0xc0: {  	_ =	task.clear_ibuf [dreg:s6], $0x2FFFF;
	_ =	strace $0x9FFFFFFF  }
0xc1: {  	(tm) =	ssettm $0x7FFFFFFF  }
tec
execute0_lowered:
.L_overlay_start_1:
0x0: {  	(tag) =	ssettag $0x1  }
0x1: {  	s3 =	rddreg [dreg:$0x0]  }
0x2: {  	s0 =	rddreg [dreg:$0x1];
	s1 =	simm.s32 $0x0;
	s4 =	srdreg.scid  }
0x3: {  	s2 =	stileid.u32;
	s12 =	simm.s32 $0x0;
	[smem:$0x7FF] =	sst s1  }
0x4: {  	s7 =	sadd.s32 $0x40C00, s3;
	s6 =	sadd.s32 $0xC00, s3;
	s4 =	sand.u32 $0x1, s4  }
0x5: {  	s8 =	sshll.u32 s2, $0xD;
	s5 =	ssub.s32 $0x2, s4;
	s4 =	sshll.u32 s4, $0x11  }
0x6: {  	s9 =	sadd.s32 $0x80C00, s3;
	s31 =	sshrl.u32 s5, $0x1;
	s8 =	sor.u32 s8, s4  }
0x7: {  	_ =	strace $0x80000047;
	s10 =	ssub.s32 s5, s31;
	s3 =	sadd.s32 s6, s8  }
0x8: {  	s11 =	sor.u32 $0x1000, s8;
	s4 =	sadd.s32 s7, s8;
	s5 =	sadd.s32 s9, s8  }
0x9: {  	s6 =	sadd.s32 s6, s11;
	s7 =	sadd.s32 s7, s11;
	s8 =	sadd.s32 s9, s11  }
0xa: {  	s9 =	smax.u32 s10, $0x1;
	s10 =	simm.s32 $0x1;
	s11 =	simm.s32 $0x8000  }
.LBB2_1:
0xb: {  	[tilespmem:s1], [sflag:$0x1] =	stream.linear.gather [hbm4b:s3+s1], $0x8000, $0x38;
	[tilespmem:$0x10000] =	vst v63  }
0xc: {  	_ =	swait.ge [sflag:s10], $0x8000  }
0xd: {  	[sflag:s10] =	ssyncset.done $0x0  }
0xe: {  	[sflag:s10] =	ssyncadd.s32 $0xFFFF8000  }
0xf: {  	[tilespmem:s11], [sflag:$0x1] =	stream.linear.gather [hbm4b:s4+s1], $0x8000, $0x38;
	[tilespmem:$0x10000] =	vst v63  }
0x10: {  	_ =	swait.ge [sflag:s10], $0x8000  }
0x11: {  	[sflag:s10] =	ssyncset.done $0x0  }
0x12: {  	s13 =	simm.s32 $0x0;
	[sflag:s10] =	ssyncadd.s32 $0xFFFF8000  }
0x13: {  	s14 =	simm.s32 $0x40;
	v0 =	vld [tilespmem:s13+$0x0]  }
.LBB2_2:
0x14: {  	p0 =	sne.s32 s14, $0x1FFC0;
	v1 =	vld [tilespmem:s13+$0x8000];
	_ =	sdelay $0x2  }
.Ltmp0:
0x15: {  	(pc) =	sbr.rel @p0 .LBB2_2-.Ltmp0, $4  }
0x16: {  	_ = 	snop  }
0x17: {  	v1 =	vadd.f32 v0, v1  }
0x18: {  	s15 =	sshra.s32 s14, $0x2  }
0x19: {  	s14 =	sadd.s32 $0x40, s14;
	v0 =	vld [tilespmem:s15+$0x0];
	[tilespmem:s13+$0x8000] =	vst v1;
	s13 =	smov.u32 s15  }
0x1a: {  	v1 =	vld [tilespmem:s13+$0x8000];
	_ =	sdelay $0x4  }
0x1b: {  	v0 =	vadd.f32 v0, v1;
	_ =	sdelay $0x1  }
0x1c: {  	s31 =	simm.s32 $0x0;
	[tilespmem:s13+$0x8000] =	vst v0  }
0x1d: {  	[hbm4b:s5+s31] =	stream.linear.scatter [tilespmem:s11], [sflag:$0x1], $0x8000, $0x38;
	[tilespmem:$0x10000] =	vst v63  }
0x1e: {  	_ =	swait.ge [sflag:s10], $0x8000  }
0x1f: {  	[sflag:s10] =	ssyncset.done $0x0  }
0x20: {  	[sflag:s10] =	ssyncadd.s32 $0xFFFF8000  }
0x21: {  	[tilespmem:s31], [sflag:$0x1] =	stream.linear.gather [hbm4b:s6+s31], $0x8000, $0x38;
	[tilespmem:$0x10000] =	vst v63  }
0x22: {  	_ =	swait.ge [sflag:s10], $0x8000  }
0x23: {  	[sflag:s10] =	ssyncset.done $0x0  }
0x24: {  	[sflag:s10] =	ssyncadd.s32 $0xFFFF8000  }
0x25: {  	[tilespmem:s11], [sflag:$0x1] =	stream.linear.gather [hbm4b:s7+s31], $0x8000, $0x38;
	[tilespmem:$0x10000] =	vst v63  }
0x26: {  	_ =	swait.ge [sflag:s10], $0x8000  }
0x27: {  	[sflag:s10] =	ssyncset.done $0x0  }
0x28: {  	s13 =	simm.s32 $0x0;
	[sflag:s10] =	ssyncadd.s32 $0xFFFF8000  }
0x29: {  	s14 =	simm.s32 $0x40;
	v0 =	vld [tilespmem:s13+$0x0]  }
.LBB2_4:
0x2a: {  	p0 =	sne.s32 s14, $0x1FFC0;
	v1 =	vld [tilespmem:s13+$0x8000];
	_ =	sdelay $0x2  }
.Ltmp1:
0x2b: {  	(pc) =	sbr.rel @p0 .LBB2_4-.Ltmp1, $4  }
0x2c: {  	_ = 	snop  }
0x2d: {  	v1 =	vadd.f32 v0, v1  }
0x2e: {  	s15 =	sshra.s32 s14, $0x2  }
0x2f: {  	s14 =	sadd.s32 $0x40, s14;
	v0 =	vld [tilespmem:s15+$0x0];
	[tilespmem:s13+$0x8000] =	vst v1;
	s13 =	smov.u32 s15  }
0x30: {  	v1 =	vld [tilespmem:s13+$0x8000];
	_ =	sdelay $0x4  }
0x31: {  	s12 =	sadd.s32 $0x1, s12;
	v0 =	vadd.f32 v0, v1  }
0x32: {  	p0 =	sne.s32 s12, s9  }
.Ltmp2:
0x33: {  	[tilespmem:s13+$0x8000] =	vst v0;
	(pc) =	sbr.rel @p0 .LBB2_1-.Ltmp2, $4  }
0x34: {  	[hbm4b:s8+s1] =	stream.linear.scatter [tilespmem:s11], [sflag:$0x1], $0x8000, $0x38;
	[tilespmem:$0x10000] =	vst v63  }
0x35: {  	_ =	swait.ge [sflag:s10], $0x8000  }
0x36: {  	[sflag:s10] =	ssyncset.done $0x0  }
0x37: {  	[sflag:s10] =	ssyncadd.s32 $0xFFFF8000  }
0x38: {  	_ =	sfence.sel $0x180000  }
0x39: {  	[bflag:$0x0] =	sbarrier.arrive $0xFFFF  }
0x3a: {  	p0 =	sne.s32 s2, $0x0;
	_ =	strace $0x90000047  }
0x3b: {  	s0 =	sadd.s32 @!p0 $0x100000, s0;
	[bflag:$0x2] =	sbarrier.arrive $0xFFFF  }
0x3c: {  	[sflag:s0] =	ssyncadd.tile.s32 @!p0 $0x1;
	_ =	shalt  }
.Lfunc_end2:
_tile_overlayer_lowered:
.L_overlay_start_2:
0x3d: {  	(tag) =	ssettag $0x2  }
0x3e: {  	s0 =	rddreg [dreg:$0x0];
	s2 =	stileid.u32  }
0x3f: {  	s1 =	rddreg [dreg:$0x1];
	p0 =	sne.s32 s2, $0x0  }
0x40: {  	s3 =	rddreg [dreg:$0x2];
	[bflag:$0x3] =	sbarrier.arrive $0xFFFF;
	s2 =	simm.s32 @!p0 $0x1C01  }
0x41: {  	[timem:s3], [sflag:s2] =	dma.local @!p0 [hbm:s0], s1  }
0x42: {  	s0 =	simm.s32 @!p0 $0x1  }
0x43: {  	_ =	swait.ge @!p0 [sflag:s0], s1  }
0x44: {  	s1 =	ssub.s32 @!p0 $0x0, s1;
	[sflag:s0] =	ssyncset.done @!p0 $0x0  }
0x45: {  	[sflag:s0] =	ssyncadd.s32 @!p0 s1  }
0x46: {  	[bflag:$0x3] =	sbarrier.arrive $0xFFFF  }
0x47: {  	_ =	shalt  }

</sc_bundles>
